<compile_context>
chip_gen: v7x
topology: tpu7x:2x2x1
jax: 0.10.2.dev20260603
libtpu: 0.0.44.dev20260713+nightly
codegen_flags: <defaults>
</compile_context>

<pallas_src>
import functools

import jax
import jax.numpy as jnp
from jax.experimental import pallas as pl
from jax.experimental.pallas import tpu as pltpu
from jax.experimental.pallas import tpu_sc as plsc

_K = 2
_SCALING = 16.0 / 8.0
_LANES = 16


def _router_body(x_ref, w1_ref, b1_ref, w2_ref, b2_ref,
                 probs_ref, idx_ref, scale_ref, acc_ref, *, t_total, n_exp, r):
    t = pl.program_id(0)

    @pl.when(t == 0)
    def _init():
        acc_ref[...] = jnp.zeros_like(acc_ref)

    acc_ref[...] += jnp.sum(x_ref[...], axis=1)

    @pl.when(t == pl.num_programs(0) - 1)
    def _finish():
        pooled = acc_ref[...] / t_total
        h = jax.lax.dot_general(
            pooled, w1_ref[...], (((1,), (1,)), ((), ())),
            preferred_element_type=jnp.float32) + b1_ref[...]
        h = jnp.maximum(h, 0.0)
        logits = jax.lax.dot_general(
            h, w2_ref[...], (((1,), (1,)), ((), ())),
            preferred_element_type=jnp.float32) + b2_ref[...]
        m = jnp.max(logits, axis=-1, keepdims=True)
        ex = jnp.exp(logits - m)
        probs = ex / jnp.sum(ex, axis=-1, keepdims=True)
        probs_ref[...] = probs

        iota = jax.lax.broadcasted_iota(jnp.int32, probs.shape, 1)
        m1 = jnp.max(probs, axis=-1, keepdims=True)
        i1 = jnp.min(jnp.where(probs == m1, iota, n_exp), axis=-1,
                     keepdims=True)
        masked = jnp.where(iota == i1, -1.0, probs)
        m2 = jnp.max(masked, axis=-1, keepdims=True)
        i2 = jnp.min(jnp.where(masked == m2, iota, n_exp), axis=-1,
                     keepdims=True)
        denom = jnp.maximum(m1 + m2, 1e-6)

        col = jax.lax.broadcasted_iota(jnp.int32, scale_ref.shape, 1)
        in_first = col < r
        e_sel = jnp.where(in_first, i1, i2)
        idx_ref[...] = e_sel * r + jnp.where(in_first, col, col - r)
        scale_ref[...] = (jnp.where(in_first, m1, m2) / denom) * _SCALING


def _sc_gather_body(rpt, ncores, a2_hbm, bmt2_hbm, idx_hbm,
                    asel_hbm, bsel_hbm, idxv, arows, brows, sem_a, sem_b):
    cid = jax.lax.axis_index("c")
    sid = jax.lax.axis_index("s")
    wid = sid * ncores + cid
    pltpu.sync_copy(idx_hbm.at[wid], idxv)
    ca = pltpu.async_copy(a2_hbm.at[idxv], arows, sem_a)
    cb = pltpu.async_copy(bmt2_hbm.at[idxv], brows, sem_b)
    ca.wait()
    wa = pltpu.async_copy(arows, asel_hbm.at[pl.ds(wid * rpt, rpt)], sem_a)
    cb.wait()
    wb = pltpu.async_copy(brows, bsel_hbm.at[pl.ds(wid * rpt, rpt)], sem_b)
    wa.wait()
    wb.wait()


def _main_body(x_ref, w_ref, bias_ref, asel_ref, bsel_ref, scale_ref, o_ref):
    x = x_ref[0]
    acc = jax.lax.dot_general(
        x, w_ref[...], (((1,), (1,)), ((), ())),
        preferred_element_type=jnp.float32) + bias_ref[...]
    t1 = jax.lax.dot_general(
        x, asel_ref[0], (((1,), (1,)), ((), ())),
        preferred_element_type=jnp.float32)
    delta = jax.lax.dot_general(
        t1 * scale_ref[0], bsel_ref[0], (((1,), (0,)), ((), ())),
        preferred_element_type=jnp.float32)
    o_ref[0] = acc + delta


def kernel(x, W, b, W1, b1, W2, b2, A, Bm):
    B, T, D = x.shape
    OUT = W.shape[0]
    HID = W1.shape[0]
    E = W2.shape[0]
    R = A.shape[1]
    KR = _K * R

    RTT = 512
    router = pl.pallas_call(
        functools.partial(_router_body, t_total=float(T), n_exp=E, r=R),
        grid=(T // RTT,),
        in_specs=[
            pl.BlockSpec((B, RTT, D), lambda t: (0, t, 0)),
            pl.BlockSpec((HID, D), lambda t: (0, 0)),
            pl.BlockSpec((1, HID), lambda t: (0, 0)),
            pl.BlockSpec((E, HID), lambda t: (0, 0)),
            pl.BlockSpec((1, E), lambda t: (0, 0)),
        ],
        out_specs=[
            pl.BlockSpec((B, E), lambda t: (0, 0)),
            pl.BlockSpec((B, KR), lambda t: (0, 0)),
            pl.BlockSpec((B, KR), lambda t: (0, 0)),
        ],
        out_shape=[
            jax.ShapeDtypeStruct((B, E), jnp.float32),
            jax.ShapeDtypeStruct((B, KR), jnp.int32),
            jax.ShapeDtypeStruct((B, KR), jnp.float32),
        ],
        scratch_shapes=[pltpu.VMEM((B, D), jnp.float32)],
    )
    probs, idx_rows, scale = router(
        x, W1, b1.reshape(1, HID), W2, b2.reshape(1, E))

    a2 = A.reshape(E * R, D)
    bmt2 = Bm.transpose(0, 2, 1).reshape(E * R, OUT)
    mesh = plsc.VectorSubcoreMesh(core_axis_name="c", subcore_axis_name="s", num_cores=1)
    n_tiles = mesh.num_cores * mesh.num_subcores
    rpt = (B * KR) // n_tiles
    sc_gather = pl.kernel(
        functools.partial(_sc_gather_body, rpt, mesh.num_cores),
        out_type=[
            jax.ShapeDtypeStruct((B * KR, D), jnp.float32),
            jax.ShapeDtypeStruct((B * KR, OUT), jnp.float32),
        ],
        mesh=mesh,
        scratch_types=[
            pltpu.VMEM((rpt,), jnp.int32),
            pltpu.VMEM((rpt, D), jnp.float32),
            pltpu.VMEM((rpt, OUT), jnp.float32),
            pltpu.SemaphoreType.DMA,
            pltpu.SemaphoreType.DMA,
        ],
    )
    asel_flat, bsel_flat = sc_gather(a2, bmt2, idx_rows.reshape(n_tiles, rpt))
    A_sel = asel_flat.reshape(B, KR, D)
    B_sel = bsel_flat.reshape(B, KR, OUT)
    scale3 = scale.reshape(B, 1, KR)

    TT = 2048
    main = pl.pallas_call(
        _main_body,
        grid=(B, T // TT),
        in_specs=[
            pl.BlockSpec((1, TT, D), lambda bb, t: (bb, t, 0)),
            pl.BlockSpec((OUT, D), lambda bb, t: (0, 0)),
            pl.BlockSpec((1, OUT), lambda bb, t: (0, 0)),
            pl.BlockSpec((1, KR, D), lambda bb, t: (bb, 0, 0)),
            pl.BlockSpec((1, KR, OUT), lambda bb, t: (bb, 0, 0)),
            pl.BlockSpec((1, 1, KR), lambda bb, t: (bb, 0, 0)),
        ],
        out_specs=pl.BlockSpec((1, TT, OUT), lambda bb, t: (bb, t, 0)),
        out_shape=jax.ShapeDtypeStruct((B, T, OUT), jnp.float32),
    )
    final_out = main(x, W, b.reshape(1, OUT), A_sel, B_sel, scale3)
    return (final_out, probs)

# --- scband reference (transcript-rebuilt; emitter-appended) ---
"""Pipeline reference for scband-lo-mo-elinear-head-35141422415914 (READ-ONLY COPY).

The authoritative reference and input builder live on the scoring server;
editing this copy changes nothing except your own understanding.
"""

import jax, jax.numpy as jnp
import numpy as np

B, T, D = 4, 2048, 768
E, K, R, OUT = 16, 2, 8, 768
HID = D // 2
SCALING = 16.0 / 8.0

def setup_inputs(seed: int = 0) -> dict:
    key = jax.random.key(seed)
    ks = jax.random.split(key, 8)
    x = jax.random.normal(ks[0], (B, T, D), dtype=jnp.float32)
    W = jax.random.normal(ks[1], (OUT, D), dtype=jnp.float32) * 0.02
    b = jnp.zeros((OUT,), dtype=jnp.float32)
    W1 = jax.random.normal(ks[2], (HID, D), dtype=jnp.float32) * 0.02
    b1 = jnp.zeros((HID,), dtype=jnp.float32)
    W2 = jax.random.normal(ks[3], (E, HID), dtype=jnp.float32) * 0.02
    b2 = jnp.zeros((E,), dtype=jnp.float32)
    A = jax.random.normal(ks[4], (E, R, D), dtype=jnp.float32) * 0.02
    Bm = jax.random.normal(ks[5], (E, OUT, R), dtype=jnp.float32) * 0.02
    return {"x": x, "W": W, "b": b, "W1": W1, "b1": b1, "W2": W2, "b2": b2, "A": A, "Bm": Bm}

def reference(x, W, b, W1, b1, W2, b2, A, Bm):
    # base_linear
    base_out = jnp.einsum('btd,od->bto', x, W) + b
    # router: pool over time, MLP, softmax, top-k
    pooled = jnp.mean(x, axis=1)
    h = jax.nn.relu(pooled @ W1.T + b1)
    logits = h @ W2.T + b2
    probs = jax.nn.softmax(logits, axis=-1)
    tw, ti = jax.lax.top_k(probs, K)
    denom = jnp.clip(jnp.sum(tw, axis=-1, keepdims=True), 1e-6, None)
    tw = tw / denom
    # all experts compute LoRA deltas on all tokens (as in the torch module)
    temp = jnp.einsum('btd,erd->ebtr', x, A)
    delta_all = jnp.einsum('ebtr,eor->ebto', temp, Bm) * SCALING  # [E,B,T,OUT]
    bsz = x.shape[0]
    gathered = delta_all[ti, jnp.arange(bsz)[:, None]]  # [B,K,T,OUT]
    moe_delta = jnp.sum(tw[:, :, None, None] * gathered, axis=1)
    final_out = base_out + moe_delta
    return (final_out, probs)

if __name__ == "__main__":
    import jax
    _d = setup_inputs()
    print(jax.jit(kernel)(*tuple(_d.values())))

</pallas_src>

<mosaic_0001>
#map = affine_map<(d0, d1) -> (0, 0)>
module attributes {stable_mosaic.version = 14 : i64} {
  func.func @_sc_gather_body(%arg0: i32, %arg1: i32, %arg2: memref<128x768xf32, #tpu.memory_space<hbm>>, %arg3: memref<128x768xf32, #tpu.memory_space<hbm>>, %arg4: memref<16x4xi32, #tpu.memory_space<hbm>>, %arg5: memref<64x768xf32, #tpu.memory_space<hbm>>, %arg6: memref<64x768xf32, #tpu.memory_space<hbm>>, %arg7: memref<4xi32, #tpu.memory_space<vmem>>, %arg8: memref<4x768xf32, #tpu.memory_space<vmem>>, %arg9: memref<4x768xf32, #tpu.memory_space<vmem>>, %arg10: memref<!tpu.dma_semaphore, #tpu.memory_space<semaphore_mem>>, %arg11: memref<!tpu.dma_semaphore, #tpu.memory_space<semaphore_mem>>) attributes {dimension_semantics = [#tpu.dimension_semantics<core_parallel>, #tpu.dimension_semantics<subcore_parallel>], iteration_bounds = array<i64: 1, 16>, scalar_prefetch = 0 : i64, scratch_operands = 5 : i64, tpu.core_type = #tpu.core_type<sc_vector_subcore>, window_params = [{transform_indices = #map}, {transform_indices = #map}, {transform_indices = #map}, {transform_indices = #map}, {transform_indices = #map}]} {
    %mul3A = arith.constant 1 : i32
    %mul3A_0 = arith.muli %arg1, %mul3A : i32
    %add3A = arith.addi %mul3A_0, %arg0 : i32
    "tpu.region"() ({
      %run_scoped3A = tpu.sem_alloc : memref<!tpu.dma_semaphore, #tpu.memory_space<semaphore_mem>>
      %dma_start3A_31 = arith.constant 0 : i32
      %dma_start3A_32 = tpu.memref_slice %arg4[%add3A, %dma_start3A_31] : memref<16x4xi32, #tpu.memory_space<hbm>> -> memref<1x4xi32, #tpu.memory_space<hbm>>
      %dma_start3A_33 = tpu.memref_squeeze %dma_start3A_32 : memref<1x4xi32, #tpu.memory_space<hbm>> -> memref<4xi32, #tpu.memory_space<hbm>>
      %dma_start3A_34 = arith.constant 0 : i32
      %dma_start3A_35 = tpu.memref_slice %arg4[%add3A, %dma_start3A_34] : memref<16x4xi32, #tpu.memory_space<hbm>> -> memref<1x4xi32, #tpu.memory_space<hbm>>
      %dma_start3A_36 = tpu.memref_squeeze %dma_start3A_35 : memref<1x4xi32, #tpu.memory_space<hbm>> -> memref<4xi32, #tpu.memory_space<hbm>>
      tpu.enqueue_dma source(%dma_start3A_36 : memref<4xi32, #tpu.memory_space<hbm>>) target(%arg7 : memref<4xi32, #tpu.memory_space<vmem>>) target_semaphore(%run_scoped3A : memref<!tpu.dma_semaphore, #tpu.memory_space<semaphore_mem>>)
      %dma_wait3A_37 = arith.constant 0 : i32
      %dma_wait3A_38 = tpu.memref_slice %arg4[%add3A, %dma_wait3A_37] : memref<16x4xi32, #tpu.memory_space<hbm>> -> memref<1x4xi32, #tpu.memory_space<hbm>>
      %dma_wait3A_39 = tpu.memref_squeeze %dma_wait3A_38 : memref<1x4xi32, #tpu.memory_space<hbm>> -> memref<4xi32, #tpu.memory_space<hbm>>
      %dma_wait3A_40 = arith.constant 0 : i32
      %dma_wait3A_41 = tpu.memref_slice %arg4[%add3A, %dma_wait3A_40] : memref<16x4xi32, #tpu.memory_space<hbm>> -> memref<1x4xi32, #tpu.memory_space<hbm>>
      %dma_wait3A_42 = tpu.memref_squeeze %dma_wait3A_41 : memref<1x4xi32, #tpu.memory_space<hbm>> -> memref<4xi32, #tpu.memory_space<hbm>>
      tpu.wait_dma2 semaphore(%run_scoped3A : memref<!tpu.dma_semaphore, #tpu.memory_space<semaphore_mem>>) src(%dma_wait3A_42 : memref<4xi32, #tpu.memory_space<hbm>>) dst(%arg7 : memref<4xi32, #tpu.memory_space<vmem>>)
      tpu.yield
    }) : () -> ()
    %dma_start3A = arith.constant 0 : i32
    %dma_start3A_1 = arith.constant 0 : i32
    %dma_start3A_2 = tpu.memref_slice %arg2[%dma_start3A, %dma_start3A_1] : memref<128x768xf32, #tpu.memory_space<hbm>> -> memref<128x768xf32, #tpu.memory_space<hbm>>
    tpu.enqueue_indirect_dma source(%dma_start3A_2 : memref<128x768xf32, #tpu.memory_space<hbm>>) target(%arg8 : memref<4x768xf32, #tpu.memory_space<vmem>>) offsets(%arg7 : memref<4xi32, #tpu.memory_space<vmem>>) semaphore(%arg10 : memref<!tpu.dma_semaphore, #tpu.memory_space<semaphore_mem>>)
    %dma_start3A_3 = arith.constant 0 : i32
    %dma_start3A_4 = arith.constant 0 : i32
    %dma_start3A_5 = tpu.memref_slice %arg3[%dma_start3A_3, %dma_start3A_4] : memref<128x768xf32, #tpu.memory_space<hbm>> -> memref<128x768xf32, #tpu.memory_space<hbm>>
    tpu.enqueue_indirect_dma source(%dma_start3A_5 : memref<128x768xf32, #tpu.memory_space<hbm>>) target(%arg9 : memref<4x768xf32, #tpu.memory_space<vmem>>) offsets(%arg7 : memref<4xi32, #tpu.memory_space<vmem>>) semaphore(%arg11 : memref<!tpu.dma_semaphore, #tpu.memory_space<semaphore_mem>>)
    %dma_wait3A = arith.constant 0 : i32
    %dma_wait3A_6 = arith.constant 0 : i32
    %dma_wait3A_7 = tpu.memref_slice %arg2[%dma_wait3A, %dma_wait3A_6] : memref<128x768xf32, #tpu.memory_space<hbm>> -> memref<128x768xf32, #tpu.memory_space<hbm>>
    tpu.wait_indirect_dma semaphore(%arg10 : memref<!tpu.dma_semaphore, #tpu.memory_space<semaphore_mem>>) src(%dma_wait3A_7 : memref<128x768xf32, #tpu.memory_space<hbm>>) dst(%arg8 : memref<4x768xf32, #tpu.memory_space<vmem>>)
    %mul3A_8 = arith.constant 4 : i32
    %mul3A_9 = arith.muli %add3A, %mul3A_8 : i32
    %dma_start3A_10 = arith.constant 0 : i32
    %dma_start3A_11 = tpu.memref_slice %arg5[%mul3A_9, %dma_start3A_10] : memref<64x768xf32, #tpu.memory_space<hbm>> -> memref<4x768xf32, #tpu.memory_space<hbm>>
    %dma_start3A_12 = arith.constant 0 : i32
    %dma_start3A_13 = tpu.memref_slice %arg5[%mul3A_9, %dma_start3A_12] : memref<64x768xf32, #tpu.memory_space<hbm>> -> memref<4x768xf32, #tpu.memory_space<hbm>>
    tpu.enqueue_dma source(%arg8 : memref<4x768xf32, #tpu.memory_space<vmem>>) target(%dma_start3A_13 : memref<4x768xf32, #tpu.memory_space<hbm>>) target_semaphore(%arg10 : memref<!tpu.dma_semaphore, #tpu.memory_space<semaphore_mem>>)
    %dma_wait3A_14 = arith.constant 0 : i32
    %dma_wait3A_15 = arith.constant 0 : i32
    %dma_wait3A_16 = tpu.memref_slice %arg3[%dma_wait3A_14, %dma_wait3A_15] : memref<128x768xf32, #tpu.memory_space<hbm>> -> memref<128x768xf32, #tpu.memory_space<hbm>>
    tpu.wait_indirect_dma semaphore(%arg11 : memref<!tpu.dma_semaphore, #tpu.memory_space<semaphore_mem>>) src(%dma_wait3A_16 : memref<128x768xf32, #tpu.memory_space<hbm>>) dst(%arg9 : memref<4x768xf32, #tpu.memory_space<vmem>>)
    %mul3A_17 = arith.constant 4 : i32
    %mul3A_18 = arith.muli %add3A, %mul3A_17 : i32
    %dma_start3A_19 = arith.constant 0 : i32
    %dma_start3A_20 = tpu.memref_slice %arg6[%mul3A_18, %dma_start3A_19] : memref<64x768xf32, #tpu.memory_space<hbm>> -> memref<4x768xf32, #tpu.memory_space<hbm>>
    %dma_start3A_21 = arith.constant 0 : i32
    %dma_start3A_22 = tpu.memref_slice %arg6[%mul3A_18, %dma_start3A_21] : memref<64x768xf32, #tpu.memory_space<hbm>> -> memref<4x768xf32, #tpu.memory_space<hbm>>
    tpu.enqueue_dma source(%arg9 : memref<4x768xf32, #tpu.memory_space<vmem>>) target(%dma_start3A_22 : memref<4x768xf32, #tpu.memory_space<hbm>>) target_semaphore(%arg11 : memref<!tpu.dma_semaphore, #tpu.memory_space<semaphore_mem>>)
    %dma_wait3A_23 = arith.constant 0 : i32
    %dma_wait3A_24 = tpu.memref_slice %arg5[%mul3A_9, %dma_wait3A_23] : memref<64x768xf32, #tpu.memory_space<hbm>> -> memref<4x768xf32, #tpu.memory_space<hbm>>
    %dma_wait3A_25 = arith.constant 0 : i32
    %dma_wait3A_26 = tpu.memref_slice %arg5[%mul3A_9, %dma_wait3A_25] : memref<64x768xf32, #tpu.memory_space<hbm>> -> memref<4x768xf32, #tpu.memory_space<hbm>>
    tpu.wait_dma2 semaphore(%arg10 : memref<!tpu.dma_semaphore, #tpu.memory_space<semaphore_mem>>) src(%arg8 : memref<4x768xf32, #tpu.memory_space<vmem>>) dst(%dma_wait3A_26 : memref<4x768xf32, #tpu.memory_space<hbm>>)
    %dma_wait3A_27 = arith.constant 0 : i32
    %dma_wait3A_28 = tpu.memref_slice %arg6[%mul3A_18, %dma_wait3A_27] : memref<64x768xf32, #tpu.memory_space<hbm>> -> memref<4x768xf32, #tpu.memory_space<hbm>>
    %dma_wait3A_29 = arith.constant 0 : i32
    %dma_wait3A_30 = tpu.memref_slice %arg6[%mul3A_18, %dma_wait3A_29] : memref<64x768xf32, #tpu.memory_space<hbm>> -> memref<4x768xf32, #tpu.memory_space<hbm>>
    tpu.wait_dma2 semaphore(%arg11 : memref<!tpu.dma_semaphore, #tpu.memory_space<semaphore_mem>>) src(%arg9 : memref<4x768xf32, #tpu.memory_space<vmem>>) dst(%dma_wait3A_30 : memref<4x768xf32, #tpu.memory_space<hbm>>)
    return
  }
}

module attributes {stable_mosaic.version = 14 : i64} {
  func.func @_router_body(%arg0: i32, %arg1: memref<4x512x768xf32, #tpu.memory_space<vmem>>, %arg2: memref<384x768xf32, #tpu.memory_space<vmem>>, %arg3: memref<1x384xf32, #tpu.memory_space<vmem>>, %arg4: memref<16x384xf32, #tpu.memory_space<vmem>>, %arg5: memref<1x16xf32, #tpu.memory_space<vmem>>, %arg6: memref<4x16xf32, #tpu.memory_space<vmem>>, %arg7: memref<4x16xi32, #tpu.memory_space<vmem>>, %arg8: memref<4x16xf32, #tpu.memory_space<vmem>>, %arg9: memref<4x768xf32, #tpu.memory_space<vmem>>) attributes {dimension_semantics = [#tpu.dimension_semantics<arbitrary>], iteration_bounds = array<i64: 4>, scalar_prefetch = 0 : i64, scratch_operands = 1 : i64, tpu.core_type = #tpu.core_type<tc>, window_params = [{transform_indices = @transform_0, window_bounds = array<i64: 4, 512, 768>}, {pipeline_mode = #tpu.pipeline_mode<synchronous>, transform_indices = @transform_1, window_bounds = array<i64: 384, 768>}, {pipeline_mode = #tpu.pipeline_mode<synchronous>, transform_indices = @transform_2, window_bounds = array<i64: 1, 384>}, {pipeline_mode = #tpu.pipeline_mode<synchronous>, transform_indices = @transform_3, window_bounds = array<i64: 16, 384>}, {pipeline_mode = #tpu.pipeline_mode<synchronous>, transform_indices = @transform_4, window_bounds = array<i64: 1, 16>}, {pipeline_mode = #tpu.pipeline_mode<synchronous>, transform_indices = @transform_5, window_bounds = array<i64: 4, 16>}, {pipeline_mode = #tpu.pipeline_mode<synchronous>, transform_indices = @transform_6, window_bounds = array<i64: 4, 16>}, {pipeline_mode = #tpu.pipeline_mode<synchronous>, transform_indices = @transform_7, window_bounds = array<i64: 4, 16>}]} {
    %eq3A = arith.constant 0 : i32
    %eq3A_0 = arith.cmpi eq, %arg0, %eq3A : i32
    %convert_element_type3A = arith.extui %eq3A_0 : i1 to i32
    %cond3A = arith.constant 0 : i32
    %cond3A_1 = arith.cmpi ne, %convert_element_type3A, %cond3A : i32
    scf.if %cond3A_1 {
      %broadcast_in_dim3A = arith.constant 0.000000e+00 : f32
      %broadcast_in_dim3A_16 = vector.broadcast %broadcast_in_dim3A : f32 to vector<4x768xf32>
      %swap3A_17 = arith.constant 0 : index
      %swap3A_18 = arith.constant 0 : index
      %swap3A_19 = vector.load %arg9[%swap3A_17, %swap3A_18] : memref<4x768xf32, #tpu.memory_space<vmem>>, vector<4x768xf32>
      tpu.vector_store %arg9[%swap3A_17, %swap3A_18], %broadcast_in_dim3A_16 {strides = array<i32>} : memref<4x768xf32, #tpu.memory_space<vmem>>, vector<4x768xf32>,
    } else {
    }
    %get3A = arith.constant 0 : index
    %get3A_2 = arith.constant 0 : index
    %get3A_3 = vector.load %arg9[%get3A, %get3A_2] : memref<4x768xf32, #tpu.memory_space<vmem>>, vector<4x768xf32>
    %get3A_4 = arith.constant 0 : index
    %get3A_5 = arith.constant 0 : index
    %get3A_6 = arith.constant 0 : index
    %get3A_7 = vector.load %arg1[%get3A_4, %get3A_5, %get3A_6] : memref<4x512x768xf32, #tpu.memory_space<vmem>>, vector<4x512x768xf32>
    %reduce_sum3A = arith.constant dense<0.000000e+00> : vector<4x768xf32>
    %reduce_sum3A_8 = vector.multi_reduction <add>, %get3A_7, %reduce_sum3A [1] : vector<4x512x768xf32> to vector<4x768xf32>
    %add3A = arith.addf %get3A_3, %reduce_sum3A_8 : vector<4x768xf32>
    %swap3A = arith.constant 0 : index
    %swap3A_9 = arith.constant 0 : index
    %swap3A_10 = vector.load %arg9[%swap3A, %swap3A_9] : memref<4x768xf32, #tpu.memory_space<vmem>>, vector<4x768xf32>
    tpu.vector_store %arg9[%swap3A, %swap3A_9], %add3A {strides = array<i32>} : memref<4x768xf32, #tpu.memory_space<vmem>>, vector<4x768xf32>,
    %eq3A_11 = arith.constant 3 : i32
    %eq3A_12 = arith.cmpi eq, %arg0, %eq3A_11 : i32
    %convert_element_type3A_13 = arith.extui %eq3A_12 : i1 to i32
    %cond3A_14 = arith.constant 0 : i32
    %cond3A_15 = arith.cmpi ne, %convert_element_type3A_13, %cond3A_14 : i32
    scf.if %cond3A_15 {
      %get3A_16 = arith.constant 0 : index
      %get3A_17 = arith.constant 0 : index
      %get3A_18 = vector.load %arg9[%get3A_16, %get3A_17] : memref<4x768xf32, #tpu.memory_space<vmem>>, vector<4x768xf32>
      %div3A = arith.constant 2.048000e+03 : f32
      %div3A_19 = vector.broadcast %div3A : f32 to vector<4x768xf32>
      %div3A_20 = arith.divf %get3A_18, %div3A_19 : vector<4x768xf32>
      %get3A_21 = arith.constant 0 : index
      %get3A_22 = arith.constant 0 : index
      %get3A_23 = vector.load %arg2[%get3A_21, %get3A_22] : memref<384x768xf32, #tpu.memory_space<vmem>>, vector<384x768xf32>
      %dot_general3A = arith.constant dense<0.000000e+00> : vector<4x384xf32>
      %dot_general3A_24 = tpu.matmul %div3A_20, %get3A_23, %dot_general3A {dimension_numbers = #tpu.dot_dimension_numbers<[1], [1], [0], [0], [0, 0, 1, 0], [], []>, transpose_lhs_hint = false} : vector<4x768xf32>, vector<384x768xf32>, vector<4x384xf32> -> vector<4x384xf32>
      %get3A_25 = arith.constant 0 : index
      %get3A_26 = arith.constant 0 : index
      %get3A_27 = vector.load %arg3[%get3A_25, %get3A_26] : memref<1x384xf32, #tpu.memory_space<vmem>>, vector<1x384xf32>
      %add3A_28 = vector.broadcast %get3A_27 : vector<1x384xf32> to vector<4x384xf32>
      %add3A_29 = arith.addf %dot_general3A_24, %add3A_28 : vector<4x384xf32>
      %max3A = arith.constant 0.000000e+00 : f32
      %max3A_30 = vector.broadcast %max3A : f32 to vector<4x384xf32>
      %max3A_31 = arith.maximumf %add3A_29, %max3A_30 : vector<4x384xf32>
      %get3A_32 = arith.constant 0 : index
      %get3A_33 = arith.constant 0 : index
      %get3A_34 = vector.load %arg4[%get3A_32, %get3A_33] : memref<16x384xf32, #tpu.memory_space<vmem>>, vector<16x384xf32>
      %dot_general3A_35 = arith.constant dense<0.000000e+00> : vector<4x16xf32>
      %dot_general3A_36 = tpu.matmul %max3A_31, %get3A_34, %dot_general3A_35 {dimension_numbers = #tpu.dot_dimension_numbers<[1], [1], [0], [0], [0, 0, 1, 0], [], []>, transpose_lhs_hint = false} : vector<4x384xf32>, vector<16x384xf32>, vector<4x16xf32> -> vector<4x16xf32>
      %get3A_37 = arith.constant 0 : index
      %get3A_38 = arith.constant 0 : index
      %get3A_39 = vector.load %arg5[%get3A_37, %get3A_38] : memref<1x16xf32, #tpu.memory_space<vmem>>, vector<1x16xf32>
      %add3A_40 = vector.broadcast %get3A_39 : vector<1x16xf32> to vector<4x16xf32>
      %add3A_41 = arith.addf %dot_general3A_36, %add3A_40 : vector<4x16xf32>
      %reduce_max3A = arith.constant dense<0xFF800000> : vector<4xf32>
      %reduce_max3A_42 = vector.multi_reduction <maximumf>, %add3A_41, %reduce_max3A [1] : vector<4x16xf32> to vector<4xf32>
      %broadcast_in_dim3A = vector.shape_cast %reduce_max3A_42 : vector<4xf32> to vector<4x1xf32>
      %sub3A = vector.broadcast %broadcast_in_dim3A : vector<4x1xf32> to vector<4x16xf32>
      %sub3A_43 = arith.subf %add3A_41, %sub3A : vector<4x16xf32>
      %exp3A = math.exp %sub3A_43 : vector<4x16xf32>
      %reduce_sum3A_44 = arith.constant dense<0.000000e+00> : vector<4xf32>
      %reduce_sum3A_45 = vector.multi_reduction <add>, %exp3A, %reduce_sum3A_44 [1] : vector<4x16xf32> to vector<4xf32>
      %broadcast_in_dim3A_46 = vector.shape_cast %reduce_sum3A_45 : vector<4xf32> to vector<4x1xf32>
      %div3A_47 = vector.broadcast %broadcast_in_dim3A_46 : vector<4x1xf32> to vector<4x16xf32>
      %div3A_48 = arith.divf %exp3A, %div3A_47 : vector<4x16xf32>
      %swap3A_49 = arith.constant 0 : index
      %swap3A_50 = arith.constant 0 : index
      %swap3A_51 = vector.load %arg6[%swap3A_49, %swap3A_50] : memref<4x16xf32, #tpu.memory_space<vmem>>, vector<4x16xf32>
      tpu.vector_store %arg6[%swap3A_49, %swap3A_50], %div3A_48 {strides = array<i32>} : memref<4x16xf32, #tpu.memory_space<vmem>>, vector<4x16xf32>,
      %iota3A = tpu.iota {dimensions = array<i32: 1>} : vector<4x16xi32>
      %reduce_max3A_52 = arith.constant dense<0xFF800000> : vector<4xf32>
      %reduce_max3A_53 = vector.multi_reduction <maximumf>, %div3A_48, %reduce_max3A_52 [1] : vector<4x16xf32> to vector<4xf32>
      %broadcast_in_dim3A_54 = vector.shape_cast %reduce_max3A_53 : vector<4xf32> to vector<4x1xf32>
      %eq3A_55 = vector.broadcast %broadcast_in_dim3A_54 : vector<4x1xf32> to vector<4x16xf32>
      %eq3A_56 = arith.cmpf oeq, %div3A_48, %eq3A_55 : vector<4x16xf32>
      %jit3A = arith.constant 16 : i32
      %broadcast_in_dim3A_57 = vector.broadcast %jit3A : i32 to vector<4x16xi32>
      %select_n3A = arith.select %eq3A_56, %iota3A, %broadcast_in_dim3A_57 : vector<4x16xi1>, vector<4x16xi32>
      %reduce_min3A = arith.constant dense<2147483647> : vector<4xi32>
      %reduce_min3A_58 = vector.multi_reduction <minsi>, %select_n3A, %reduce_min3A [1] : vector<4x16xi32> to vector<4xi32>
      %broadcast_in_dim3A_59 = vector.shape_cast %reduce_min3A_58 : vector<4xi32> to vector<4x1xi32>
      %eq3A_60 = vector.broadcast %broadcast_in_dim3A_59 : vector<4x1xi32> to vector<4x16xi32>
      %eq3A_61 = arith.cmpi eq, %iota3A, %eq3A_60 : vector<4x16xi32>
      %jit3A_62 = arith.constant -1.000000e+00 : f32
      %broadcast_in_dim3A_63 = vector.broadcast %jit3A_62 : f32 to vector<4x16xf32>
      %select_n3A_64 = arith.select %eq3A_61, %broadcast_in_dim3A_63, %div3A_48 : vector<4x16xi1>, vector<4x16xf32>
      %reduce_max3A_65 = arith.constant dense<0xFF800000> : vector<4xf32>
      %reduce_max3A_66 = vector.multi_reduction <maximumf>, %select_n3A_64, %reduce_max3A_65 [1] : vector<4x16xf32> to vector<4xf32>
      %broadcast_in_dim3A_67 = vector.shape_cast %reduce_max3A_66 : vector<4xf32> to vector<4x1xf32>
      %eq3A_68 = vector.broadcast %broadcast_in_dim3A_67 : vector<4x1xf32> to vector<4x16xf32>
      %eq3A_69 = arith.cmpf oeq, %select_n3A_64, %eq3A_68 : vector<4x16xf32>
      %jit3A_70 = arith.constant 16 : i32
      %broadcast_in_dim3A_71 = vector.broadcast %jit3A_70 : i32 to vector<4x16xi32>
      %select_n3A_72 = arith.select %eq3A_69, %iota3A, %broadcast_in_dim3A_71 : vector<4x16xi1>, vector<4x16xi32>
      %reduce_min3A_73 = arith.constant dense<2147483647> : vector<4xi32>
      %reduce_min3A_74 = vector.multi_reduction <minsi>, %select_n3A_72, %reduce_min3A_73 [1] : vector<4x16xi32> to vector<4xi32>
      %broadcast_in_dim3A_75 = vector.shape_cast %reduce_min3A_74 : vector<4xi32> to vector<4x1xi32>
      %add3A_76 = arith.addf %broadcast_in_dim3A_54, %broadcast_in_dim3A_67 : vector<4x1xf32>
      %max3A_77 = arith.constant 9.99999997E-7 : f32
      %max3A_78 = vector.broadcast %max3A_77 : f32 to vector<4x1xf32>
      %max3A_79 = arith.maximumf %add3A_76, %max3A_78 : vector<4x1xf32>
      %iota3A_80 = tpu.iota {dimensions = array<i32: 1>} : vector<4x16xi32>
      %lt3A = arith.constant 8 : i32
      %lt3A_81 = vector.broadcast %lt3A : i32 to vector<4x16xi32>
      %lt3A_82 = arith.cmpi slt, %iota3A_80, %lt3A_81 : vector<4x16xi32>
      %broadcast_in_dim3A_83 = vector.shape_cast %broadcast_in_dim3A_59 : vector<4x1xi32> to vector<4x1xi32>
      %broadcast_in_dim3A_84 = vector.broadcast %broadcast_in_dim3A_83 : vector<4x1xi32> to vector<4x16xi32>
      %broadcast_in_dim3A_85 = vector.shape_cast %broadcast_in_dim3A_75 : vector<4x1xi32> to vector<4x1xi32>
      %broadcast_in_dim3A_86 = vector.broadcast %broadcast_in_dim3A_85 : vector<4x1xi32> to vector<4x16xi32>
      %select_n3A_87 = arith.select %lt3A_82, %broadcast_in_dim3A_84, %broadcast_in_dim3A_86 : vector<4x16xi1>, vector<4x16xi32>
      %mul3A = arith.constant 8 : i32
      %mul3A_88 = vector.broadcast %mul3A : i32 to vector<4x16xi32>
      %mul3A_89 = arith.muli %select_n3A_87, %mul3A_88 : vector<4x16xi32>
      %sub3A_90 = arith.constant 8 : i32
      %sub3A_91 = vector.broadcast %sub3A_90 : i32 to vector<4x16xi32>
      %sub3A_92 = arith.subi %iota3A_80, %sub3A_91 : vector<4x16xi32>
      %select_n3A_93 = arith.select %lt3A_82, %iota3A_80, %sub3A_92 : vector<4x16xi1>, vector<4x16xi32>
      %add3A_94 = arith.addi %mul3A_89, %select_n3A_93 : vector<4x16xi32>
      %swap3A_95 = arith.constant 0 : index
      %swap3A_96 = arith.constant 0 : index
      %swap3A_97 = vector.load %arg7[%swap3A_95, %swap3A_96] : memref<4x16xi32, #tpu.memory_space<vmem>>, vector<4x16xi32>
      tpu.vector_store %arg7[%swap3A_95, %swap3A_96], %add3A_94 {strides = array<i32>} : memref<4x16xi32, #tpu.memory_space<vmem>>, vector<4x16xi32>,
      %broadcast_in_dim3A_98 = vector.shape_cast %broadcast_in_dim3A_54 : vector<4x1xf32> to vector<4x1xf32>
      %broadcast_in_dim3A_99 = vector.broadcast %broadcast_in_dim3A_98 : vector<4x1xf32> to vector<4x16xf32>
      %broadcast_in_dim3A_100 = vector.shape_cast %broadcast_in_dim3A_67 : vector<4x1xf32> to vector<4x1xf32>
      %broadcast_in_dim3A_101 = vector.broadcast %broadcast_in_dim3A_100 : vector<4x1xf32> to vector<4x16xf32>
      %select_n3A_102 = arith.select %lt3A_82, %broadcast_in_dim3A_99, %broadcast_in_dim3A_101 : vector<4x16xi1>, vector<4x16xf32>
      %div3A_103 = vector.broadcast %max3A_79 : vector<4x1xf32> to vector<4x16xf32>
      %div3A_104 = arith.divf %select_n3A_102, %div3A_103 : vector<4x16xf32>
      %mul3A_105 = arith.constant 2.000000e+00 : f32
      %mul3A_106 = vector.broadcast %mul3A_105 : f32 to vector<4x16xf32>
      %mul3A_107 = arith.mulf %div3A_104, %mul3A_106 : vector<4x16xf32>
      %swap3A_108 = arith.constant 0 : index
      %swap3A_109 = arith.constant 0 : index
      %swap3A_110 = vector.load %arg8[%swap3A_108, %swap3A_109] : memref<4x16xf32, #tpu.memory_space<vmem>>, vector<4x16xf32>
      tpu.vector_store %arg8[%swap3A_108, %swap3A_109], %mul3A_107 {strides = array<i32>} : memref<4x16xf32, #tpu.memory_space<vmem>>, vector<4x16xf32>,
    } else {
    }
    return
  }
  func.func @transform_0(%arg0: i32) -> (i32, i32, i32) {
    %c0_i32 = arith.constant 0 : i32
    %c0_i32_0 = arith.constant 0 : i32
    %c0_i32_1 = arith.constant 0 : i32
    return %c0_i32, %arg0, %c0_i32_0 : i32, i32, i32
  }
  func.func @transform_1(%arg0: i32) -> (i32, i32) {
    %c0_i32 = arith.constant 0 : i32
    %c0_i32_0 = arith.constant 0 : i32
    %c0_i32_1 = arith.constant 0 : i32
    return %c0_i32, %c0_i32_0 : i32, i32
  }
  func.func @transform_2(%arg0: i32) -> (i32, i32) {
    %c0_i32 = arith.constant 0 : i32
    %c0_i32_0 = arith.constant 0 : i32
    %c0_i32_1 = arith.constant 0 : i32
    return %c0_i32, %c0_i32_0 : i32, i32
  }
  func.func @transform_3(%arg0: i32) -> (i32, i32) {
    %c0_i32 = arith.constant 0 : i32
    %c0_i32_0 = arith.constant 0 : i32
    %c0_i32_1 = arith.constant 0 : i32
    return %c0_i32, %c0_i32_0 : i32, i32
  }
  func.func @transform_4(%arg0: i32) -> (i32, i32) {
    %c0_i32 = arith.constant 0 : i32
    %c0_i32_0 = arith.constant 0 : i32
    %c0_i32_1 = arith.constant 0 : i32
    return %c0_i32, %c0_i32_0 : i32, i32
  }
  func.func @transform_5(%arg0: i32) -> (i32, i32) {
    %c0_i32 = arith.constant 0 : i32
    %c0_i32_0 = arith.constant 0 : i32
    %c0_i32_1 = arith.constant 0 : i32
    return %c0_i32, %c0_i32_0 : i32, i32
  }
  func.func @transform_6(%arg0: i32) -> (i32, i32) {
    %c0_i32 = arith.constant 0 : i32
    %c0_i32_0 = arith.constant 0 : i32
    %c0_i32_1 = arith.constant 0 : i32
    return %c0_i32, %c0_i32_0 : i32, i32
  }
  func.func @transform_7(%arg0: i32) -> (i32, i32) {
    %c0_i32 = arith.constant 0 : i32
    %c0_i32_0 = arith.constant 0 : i32
    %c0_i32_1 = arith.constant 0 : i32
    return %c0_i32, %c0_i32_0 : i32, i32
  }
}

module attributes {stable_mosaic.version = 14 : i64} {
  func.func @_main_body(%arg0: i32, %arg1: i32, %arg2: memref<1x2048x768xf32, #tpu.memory_space<vmem>>, %arg3: memref<768x768xf32, #tpu.memory_space<vmem>>, %arg4: memref<1x768xf32, #tpu.memory_space<vmem>>, %arg5: memref<1x16x768xf32, #tpu.memory_space<vmem>>, %arg6: memref<1x16x768xf32, #tpu.memory_space<vmem>>, %arg7: memref<1x1x16xf32, #tpu.memory_space<vmem>>, %arg8: memref<1x2048x768xf32, #tpu.memory_space<vmem>>) attributes {dimension_semantics = [#tpu.dimension_semantics<arbitrary>, #tpu.dimension_semantics<arbitrary>], iteration_bounds = array<i64: 4, 1>, scalar_prefetch = 0 : i64, scratch_operands = 0 : i64, tpu.core_type = #tpu.core_type<tc>, window_params = [{transform_indices = @transform_0, window_bounds = array<i64: 1, 2048, 768>}, {pipeline_mode = #tpu.pipeline_mode<synchronous>, transform_indices = @transform_1, window_bounds = array<i64: 768, 768>}, {pipeline_mode = #tpu.pipeline_mode<synchronous>, transform_indices = @transform_2, window_bounds = array<i64: 1, 768>}, {transform_indices = @transform_3, window_bounds = array<i64: 1, 16, 768>}, {transform_indices = @transform_4, window_bounds = array<i64: 1, 16, 768>}, {transform_indices = @transform_5, window_bounds = array<i64: 1, 1, 16>}, {transform_indices = @transform_6, window_bounds = array<i64: 1, 2048, 768>}]} {
    %get3A = arith.constant 0 : index
    %get3A_0 = arith.constant 0 : index
    %get3A_1 = arith.constant 0 : index
    %get3A_2 = vector.load %arg2[%get3A, %get3A_0, %get3A_1] : memref<1x2048x768xf32, #tpu.memory_space<vmem>>, vector<1x2048x768xf32>
    %get3A_3 = vector.shape_cast %get3A_2 : vector<1x2048x768xf32> to vector<2048x768xf32>
    %get3A_4 = arith.constant 0 : index
    %get3A_5 = arith.constant 0 : index
    %get3A_6 = vector.load %arg3[%get3A_4, %get3A_5] : memref<768x768xf32, #tpu.memory_space<vmem>>, vector<768x768xf32>
    %dot_general3A = arith.constant dense<0.000000e+00> : vector<2048x768xf32>
    %dot_general3A_7 = tpu.matmul %get3A_3, %get3A_6, %dot_general3A {dimension_numbers = #tpu.dot_dimension_numbers<[1], [1], [0], [0], [0, 0, 1, 0], [], []>, transpose_lhs_hint = false} : vector<2048x768xf32>, vector<768x768xf32>, vector<2048x768xf32> -> vector<2048x768xf32>
    %get3A_8 = arith.constant 0 : index
    %get3A_9 = arith.constant 0 : index
    %get3A_10 = vector.load %arg4[%get3A_8, %get3A_9] : memref<1x768xf32, #tpu.memory_space<vmem>>, vector<1x768xf32>
    %add3A = vector.broadcast %get3A_10 : vector<1x768xf32> to vector<2048x768xf32>
    %add3A_11 = arith.addf %dot_general3A_7, %add3A : vector<2048x768xf32>
    %get3A_12 = arith.constant 0 : index
    %get3A_13 = arith.constant 0 : index
    %get3A_14 = arith.constant 0 : index
    %get3A_15 = vector.load %arg5[%get3A_12, %get3A_13, %get3A_14] : memref<1x16x768xf32, #tpu.memory_space<vmem>>, vector<1x16x768xf32>
    %get3A_16 = vector.shape_cast %get3A_15 : vector<1x16x768xf32> to vector<16x768xf32>
    %dot_general3A_17 = arith.constant dense<0.000000e+00> : vector<2048x16xf32>
    %dot_general3A_18 = tpu.matmul %get3A_3, %get3A_16, %dot_general3A_17 {dimension_numbers = #tpu.dot_dimension_numbers<[1], [1], [0], [0], [0, 0, 1, 0], [], []>, transpose_lhs_hint = false} : vector<2048x768xf32>, vector<16x768xf32>, vector<2048x16xf32> -> vector<2048x16xf32>
    %get3A_19 = arith.constant 0 : index
    %get3A_20 = arith.constant 0 : index
    %get3A_21 = arith.constant 0 : index
    %get3A_22 = vector.load %arg7[%get3A_19, %get3A_20, %get3A_21] : memref<1x1x16xf32, #tpu.memory_space<vmem>>, vector<1x1x16xf32>
    %get3A_23 = vector.shape_cast %get3A_22 : vector<1x1x16xf32> to vector<1x16xf32>
    %mul3A = vector.broadcast %get3A_23 : vector<1x16xf32> to vector<2048x16xf32>
    %mul3A_24 = arith.mulf %dot_general3A_18, %mul3A : vector<2048x16xf32>
    %get3A_25 = arith.constant 0 : index
    %get3A_26 = arith.constant 0 : index
    %get3A_27 = arith.constant 0 : index
    %get3A_28 = vector.load %arg6[%get3A_25, %get3A_26, %get3A_27] : memref<1x16x768xf32, #tpu.memory_space<vmem>>, vector<1x16x768xf32>
    %get3A_29 = vector.shape_cast %get3A_28 : vector<1x16x768xf32> to vector<16x768xf32>
    %dot_general3A_30 = arith.constant dense<0.000000e+00> : vector<2048x768xf32>
    %dot_general3A_31 = tpu.matmul %mul3A_24, %get3A_29, %dot_general3A_30 {dimension_numbers = #tpu.dot_dimension_numbers<[1], [0], [0], [1], [0, 0, 1, 1], [], []>, transpose_lhs_hint = false} : vector<2048x16xf32>, vector<16x768xf32>, vector<2048x768xf32> -> vector<2048x768xf32>
    %add3A_32 = arith.addf %add3A_11, %dot_general3A_31 : vector<2048x768xf32>
    %swap3A = arith.constant 0 : index
    %swap3A_33 = arith.constant 0 : index
    %swap3A_34 = arith.constant 0 : index
    %swap3A_35 = vector.load %arg8[%swap3A, %swap3A_33, %swap3A_34] : memref<1x2048x768xf32, #tpu.memory_space<vmem>>, vector<1x2048x768xf32>
    %swap3A_36 = vector.shape_cast %swap3A_35 : vector<1x2048x768xf32> to vector<2048x768xf32>
    %swap3A_37 = vector.shape_cast %add3A_32 : vector<2048x768xf32> to vector<1x2048x768xf32>
    tpu.vector_store %arg8[%swap3A, %swap3A_33, %swap3A_34], %swap3A_37 {strides = array<i32>} : memref<1x2048x768xf32, #tpu.memory_space<vmem>>, vector<1x2048x768xf32>,
    return
  }
  func.func @transform_0(%arg0: i32, %arg1: i32) -> (i32, i32, i32) {
    %c0_i32 = arith.constant 0 : i32
    %c0_i32_0 = arith.constant 0 : i32
    return %arg0, %arg1, %c0_i32 : i32, i32, i32
  }
  func.func @transform_1(%arg0: i32, %arg1: i32) -> (i32, i32) {
    %c0_i32 = arith.constant 0 : i32
    %c0_i32_0 = arith.constant 0 : i32
    %c0_i32_1 = arith.constant 0 : i32
    return %c0_i32, %c0_i32_0 : i32, i32
  }
  func.func @transform_2(%arg0: i32, %arg1: i32) -> (i32, i32) {
    %c0_i32 = arith.constant 0 : i32
    %c0_i32_0 = arith.constant 0 : i32
    %c0_i32_1 = arith.constant 0 : i32
    return %c0_i32, %c0_i32_0 : i32, i32
  }
  func.func @transform_3(%arg0: i32, %arg1: i32) -> (i32, i32, i32) {
    %c0_i32 = arith.constant 0 : i32
    %c0_i32_0 = arith.constant 0 : i32
    %c0_i32_1 = arith.constant 0 : i32
    return %arg0, %c0_i32, %c0_i32_0 : i32, i32, i32
  }
  func.func @transform_4(%arg0: i32, %arg1: i32) -> (i32, i32, i32) {
    %c0_i32 = arith.constant 0 : i32
    %c0_i32_0 = arith.constant 0 : i32
    %c0_i32_1 = arith.constant 0 : i32
    return %arg0, %c0_i32, %c0_i32_0 : i32, i32, i32
  }
  func.func @transform_5(%arg0: i32, %arg1: i32) -> (i32, i32, i32) {
    %c0_i32 = arith.constant 0 : i32
    %c0_i32_0 = arith.constant 0 : i32
    %c0_i32_1 = arith.constant 0 : i32
    return %arg0, %c0_i32, %c0_i32_0 : i32, i32, i32
  }
  func.func @transform_6(%arg0: i32, %arg1: i32) -> (i32, i32, i32) {
    %c0_i32 = arith.constant 0 : i32
    %c0_i32_0 = arith.constant 0 : i32
    return %arg0, %arg1, %c0_i32 : i32, i32, i32
  }
}

</mosaic_0001>

<sc_bundles>
// kernel: kernel.5.cloned.1.call-start
scs
__scs_entry_jumppad:
0x0: {  	(pc) =	sbr.rel $0x88, $3  }
0x1: {  	(tag) =	ssettag $0x0;
	lr =	simm.s32 $0x1  }
0x2: {  	[smem:$0x3F98] =	sst lr;
	_ =	strace $0xD0000000  }
0x3: {  	_ = 	snop  }
0x4: {  	_ = 	snop  }
0x5: {  	_ = 	snop  }
0x6: {  	_ = 	snop  }
0x7: {  	_ = 	snop  }
__scs_overlays_trampoline_lowered:
0x8: {  	[smem:$0x3FA7] =	sst s0  }
0x9: {  	[smem:$0x3FA8] =	sst s1  }
0xa: {  	[smem:$0x3FA9] =	sst s2  }
0xb: {  	[smem:$0x3FAA] =	sst s3  }
0xc: {  	[smem:$0x3FAB] =	sst s4  }
0xd: {  	[smem:$0x3FAC] =	sst s5  }
0xe: {  	[smem:$0x3FAD] =	sst s6  }
0xf: {  	[smem:$0x3FAE] =	sst s7  }
0x10: {  	[smem:$0x3FAF] =	sst s8  }
0x11: {  	[smem:$0x3FB0] =	sst s9;
	s0 =	simm.s32 @!p0 $0x0  }
0x12: {  	s1 =	sld [smem:$0x3F96];
	s0 =	simm.s32 @p0 $0x1  }
0x13: {  	[smem:$0x3FB1] =	sst s0;
	s0 =	simm.s32 @!p1 $0x0  }
0x14: {  	s2 =	sld [smem:$0x3F95];
	s0 =	simm.s32 @p1 $0x1  }
0x15: {  	[smem:$0x3FB2] =	sst s0;
	s0 =	simm.s32 @!p2 $0x0  }
0x16: {  	s3 =	sld [smem:$0x3FDB];
	s0 =	simm.s32 @p2 $0x1  }
0x17: {  	s4 =	simm.s32 $0x1BF5;
	[smem:$0x3FB4] =	sst s0  }
0x18: {  	s0 =	sld [smem:$0x3F97];
	_ =	swait.ge [sflag:s4], $0x0  }
0x19: {  	s7 =	sld [smem:$0x3F98]  }
0x1a: {  	s8 =	sadd.s32 $0xFFFFE003, lr  }
0x1b: {  	s9 =	sadd.s32 $0xFFFFFEF7, lr;
	s5 =	simm.s32 $0xFFFFFFFF;
	p2 =	slt.u32 s8, $0xFFFFF086  }
0x1c: {  	p1 =	slt.u32 s9, $0xF7A;
	s5 =	simm.s32 @!p2 $0x0  }
0x1d: {  	s5 =	simm.s32 @p1 $0x1;
	p0 =	seq.s32 s7, s2  }
0x1e: {  	s7 =	smul.u32 @!p0 $0xF7A, s2;
	p2 =	seq.s32 @!p0 s5, $0x0  }
0x1f: {  	s9 =	smul.u32 $0xF7A, s1;
	s8 =	simm.s32 @!p0 $0x1BF5;
	p2 =	por !p2, p0  }
0x20: {  	[sflag:s8] =	ssyncset.s32 @!p0 $0xFFFFF086;
	s6 =	sadd.s32 @!p0 s3, s7;
	s7 =	simm.s32 @!p0 $0x108  }
0x21: {  	s3 =	sadd.s32 s3, s9;
	s6 =	sadd.s32 @!p0 $0x88, s6;
	s7 =	simm.s32 @p2 $0x1082  }
0x22: {  	[simem:s7], [sflag:s8] =	dma.local @!p0 [hbm:s6], $0xF7A  }
0x23: {  	s9 =	sor.u32 $0xD0000000, s2;
	s6 =	simm.s32 $0x108;
	_ =	swait.ge @!p0 [sflag:s8], $0x0  }
0x24: {  	s3 =	sadd.s32 $0x88, s3;
	s6 =	simm.s32 @!p1 $0x1082;
	[sflag:s4] =	ssyncset.s32 $0xFFFFF086  }
0x25: {  	[simem:s6], [sflag:s4] =	dma.local [hbm:s3], $0xF7A  }
0x26: {  	[smem:$0x3F98] =	sst s1;
	(tag) =	ssettag s2;
	_ =	strace s9  }
0x27: {  	s1 =	sld [smem:$0x3FA8]  }
0x28: {  	s2 =	sld [smem:$0x3FA9]  }
0x29: {  	s4 =	sld [smem:$0x3FAB]  }
0x2a: {  	p0 =	seq.s32 s5, $0x0;
	s5 =	sld [smem:$0x3FAC]  }
0x2b: {  	s6 =	sld [smem:$0x3FAD]  }
0x2c: {  	s7 =	sld [smem:$0x3FAE]  }
0x2d: {  	s3 =	simm.s32 $0x108;
	s8 =	sld [smem:$0x3FAF]  }
0x2e: {  	s3 =	simm.s32 @!p0 $0x1082;
	s9 =	sld [smem:$0x3FB0]  }
0x2f: {  	lr =	sadd.s32 s0, s3;
	s0 =	sld [smem:$0x3FA7]  }
0x30: {  	s3 =	sld [smem:$0x3FAA]  }
0x31: {  	[smem:$0x3FB3] =	sst s10  }
0x32: {  	s10 =	sld [smem:$0x3FB1];
	_ =	sdelay $0x3  }
0x33: {  	p0 =	seq.s32 s10, $0x1;
	s10 =	sld [smem:$0x3FB3];
	_ =	sdelay $0x3  }
0x34: {  	[smem:$0x3FB3] =	sst s10  }
0x35: {  	s10 =	sld [smem:$0x3FB2];
	_ =	sdelay $0x3  }
0x36: {  	p1 =	seq.s32 s10, $0x1;
	s10 =	sld [smem:$0x3FB3];
	_ =	sdelay $0x3  }
0x37: {  	[smem:$0x3FB3] =	sst s10  }
0x38: {  	s10 =	sld [smem:$0x3FB4]  }
0x39: {  	_ = 	snop;
	(pc) =	sbr.ind lr, $3  }
0x3a: {  	_ = 	snop  }
0x3b: {  	_ = 	snop  }
0x3c: {  	p2 =	seq.s32 s10, $0x1;
	s10 =	sld [smem:$0x3FB3]  }
0x3d: {  	_ =	shalt  }
0x3e: {  	_ =	shalt  }
0x3f: {  	_ =	shalt  }
0x40: {  	_ =	shalt  }
0x41: {  	_ =	shalt  }
0x42: {  	_ =	shalt  }
0x43: {  	_ =	shalt  }
0x44: {  	_ =	shalt  }
0x45: {  	_ =	shalt  }
0x46: {  	_ =	shalt  }
0x47: {  	_ =	shalt  }
0x48: {  	_ =	shalt  }
0x49: {  	_ =	shalt  }
0x4a: {  	_ =	shalt  }
0x4b: {  	_ =	shalt  }
0x4c: {  	_ =	shalt  }
0x4d: {  	_ =	shalt  }
0x4e: {  	_ =	shalt  }
0x4f: {  	_ =	shalt  }
0x50: {  	_ =	shalt  }
0x51: {  	_ =	shalt  }
0x52: {  	_ =	shalt  }
0x53: {  	_ =	shalt  }
0x54: {  	_ =	shalt  }
0x55: {  	_ =	shalt  }
0x56: {  	_ =	shalt  }
0x57: {  	_ =	shalt  }
0x58: {  	_ =	shalt  }
0x59: {  	_ =	shalt  }
0x5a: {  	_ =	shalt  }
0x5b: {  	_ =	shalt  }
0x5c: {  	_ =	shalt  }
0x5d: {  	_ =	shalt  }
0x5e: {  	_ =	shalt  }
0x5f: {  	_ =	shalt  }
0x60: {  	_ =	shalt  }
0x61: {  	_ =	shalt  }
0x62: {  	_ =	shalt  }
0x63: {  	_ =	shalt  }
0x64: {  	_ =	shalt  }
0x65: {  	_ =	shalt  }
0x66: {  	_ =	shalt  }
0x67: {  	_ =	shalt  }
0x68: {  	_ =	shalt  }
0x69: {  	_ =	shalt  }
0x6a: {  	_ =	shalt  }
0x6b: {  	_ =	shalt  }
0x6c: {  	_ =	shalt  }
0x6d: {  	_ =	shalt  }
0x6e: {  	_ =	shalt  }
0x6f: {  	_ =	shalt  }
0x70: {  	_ =	shalt  }
0x71: {  	_ =	shalt  }
0x72: {  	_ =	shalt  }
0x73: {  	_ =	shalt  }
0x74: {  	_ =	shalt  }
0x75: {  	_ =	shalt  }
0x76: {  	_ =	shalt  }
0x77: {  	_ =	shalt  }
0x78: {  	_ =	shalt  }
0x79: {  	_ =	shalt  }
0x7a: {  	_ =	shalt  }
0x7b: {  	_ =	shalt  }
0x7c: {  	_ =	shalt  }
0x7d: {  	_ =	shalt  }
0x7e: {  	_ =	shalt  }
0x7f: {  	_ =	shalt  }
0x80: {  	_ =	shalt  }
0x81: {  	_ =	shalt  }
0x82: {  	_ =	shalt  }
0x83: {  	_ =	shalt  }
0x84: {  	_ =	shalt  }
0x85: {  	_ =	shalt  }
0x86: {  	_ =	shalt  }
0x87: {  	_ =	shalt  }
.Lfunc_end0:
.L_simem_size_0:
called_computation_lowered:
.L_overlay_start_0:
0x88: {  	s0 =	sld [smem:$0x3FD9]  }
0x89: {  	s1 =	sld [smem:$0x3FFE];
	_ =	sdelay $0x3  }
0x8a: {  	s0 =	sadd.s32 s1, s0  }
0x8b: {  	[smem:$0x3FBF] =	sst s0  }
0x8c: {  	_ = 	snop  }
0x8d: {  	s0 =	sld [smem:$0x3FD0];
	_ =	sdelay $0x1  }
0x8e: {  	s13 =	sld [smem:$0x3FC2]  }
0x8f: {  	s3 =	simm.s32 $0xA;
	s4 =	simm.s32 $0x10;
	s2 =	sld [smem:$0x3FC1]  }
0x90: {  	[smem:s4], [sflag:s3] =	dma.local [hbm:s0], $0x1  }
0x91: {  	_ =	swait.eq [sflag:s3], $0x1  }
0x92: {  	[sflag:s3] =	ssyncset.done $0x0  }
0x93: {  	[sflag:s3] =	ssyncadd.s32 $0xFFFFFFFF  }
0x94: {  	s14 =	sld [smem:$0x10];
	(tm) =	ssettm $0x1  }
0x95: {  	s15 =	sld [smem:$0x3FFB];
	_ =	sdelay $0x3  }
0x96: {  	_ =	strace s15  }
0x97: {  	s3 =	sld [smem:$0x3FFC];
	_ =	sdelay $0x3  }
0x98: {  	_ =	strace s3  }
0x99: {  	s3 =	sld [smem:$0x3FFD];
	_ =	sdelay $0x3  }
0x9a: {  	_ =	strace s3  }
0x9b: {  	_ =	strace $0x8FFFFFFF  }
0x9c: {  	s16 =	sld [smem:$0x3FDB];
	_ =	sdelay $0x1  }
0x9d: {  	s17 =	simm.s32 $_scs_section_size  }
0x9e: {  	s5 =	simm.s32 $_size__tile_overlayer_lowered;
	s6 =	simm.s32 $_tile_overlayer_lowered  }
0x9f: {  	s20 =	simm.s32 $0x1BFF;
	s19 =	sshll.u32 s6, $0x1;
	s3 =	sadd.s32 s17, s16  }
0xa0: {  	s7 =	simm.s32 $0x0;
	s18 =	sshll.u32 s5, $0x1;
	s5 =	sadd.s32 s19, s3  }
0xa1: {  	[timem:s7], [sflag:s20] =	dma.local [hbm:s5], s18  }
0xa2: {  	_ =	swait.ge [sflag:s20], s18  }
0xa3: {  	s4 =	ssub.s32 $0x0, s18;
	[sflag:s20] =	ssyncset.done $0x0  }
0xa4: {  	[sflag:s20] =	ssyncadd.s32 s4;
	_ =	sdelay $0x1  }
0xa5: {  	s21 =	simm.s32 $0x1B8B  }
0xa6: {  	_ =	swait.ge [sflag:s21], $0x1  }
0xa7: {  	[sflag:s21] =	ssyncset.done $0x0  }
0xa8: {  	s23 =	simm.s32 $0x1B8E;
	s22 =	sld [smem:$0x3FFE];
	[sflag:s21] =	ssyncadd.s32 $0xFFFFFFFF  }
0xa9: {  	s24 =	simm.s32 $execute0_lowered;
	[smem:$0x3FD2] =	sst s23  }
0xaa: {  	s5 =	sshll.u32 s24, $0x1;
	_ =	strace $0x80000046;
	[dreg:$0x1] =	wrdreg $0xFFFFFFFF  }
0xab: {  	s25 =	simm.s32 $_size_execute0_lowered;
	s3 =	sadd.s32 s3, s5;
	[dreg:$0x0] =	wrdreg $0x0  }
0xac: {  	s5 =	sshll.u32 s25, $0x1;
	[dreg:$0x2] =	wrdreg s3  }
0xad: {  	[dreg:$0x3] =	wrdreg s5  }
0xae: {  	[dreg:$0x4] =	wrdreg $0xC0  }
0xaf: {  	_ =	task [dreg:s7], $0x5FFFF  }
0xb0: {  	[dreg:$0x1] =	wrdreg $0xFFFFFFFF  }
0xb1: {  	[dreg:$0x0] =	wrdreg $0x60  }
0xb2: {  	[dreg:$0x2] =	wrdreg s13  }
0xb3: {  	[dreg:$0x3] =	wrdreg s2  }
0xb4: {  	[dreg:$0x4] =	wrdreg s22  }
0xb5: {  	[dreg:$0x5] =	wrdreg s14  }
0xb6: {  	[dreg:$0x6] =	wrdreg $0x9  }
0xb7: {  	_ =	task.clear_ibuf [dreg:s7], $0x7FFFF;
	_ =	strace $0x90000046  }
0xb8: {  	s26 =	simm.s32 $0x9;
	_ =	strace $0x80000048  }
0xb9: {  	_ =	swait.ge [sflag:s26], $0x1  }
0xba: {  	[sflag:s26] =	ssyncadd.s32 $0xFFFFFFFF  }
0xbb: {  	_ =	strace $0x90000048  }
0xbc: {  	_ =	sfence  }
0xbd: {  	s28 =	sld [smem:$0x0];
	_ =	sdelay $0x1  }
0xbe: {  	s29 =	srdreg.scid  }
0xbf: {  	s30 =	sshll.u32 s29, $0xD;
	s31 =	sshrl.u32 s29, $0x2  }
0xc0: {  	s1 =	sand.u32 $0x1, s29;
	s2 =	sand.u32 $0x4000, s30;
	s0 =	sadd.s32 s31, s28  }
0xc1: {  	s1 =	sor.u32 s2, s1;
	s0 =	sshll.u32 s0, $0x11  }
0xc2: {  	s0 =	sor.u32 s0, s1  }
0xc3: {  	s0 =	sadd.s32 $0x8F2B, s0  }
0xc4: {  	[sflag:s0] =	ssyncadd.remote.s32 $0x1  }
0xc5: {  	_ =	sfence.sel $0xFFFF  }
0xc6: {  	[dreg:$0x0] =	wrdreg $0xFFFFFFFF;
	(pc) =	sbr.abs _section_cstart, $3  }
0xc7: {  	[dreg:$0x1] =	wrdreg $0xFFFFFFFF  }
0xc8: {  	_ =	task.clear_ibuf [dreg:s7], $0x2FFFF;
	_ =	strace $0x9FFFFFFF  }
0xc9: {  	(tm) =	ssettm $0x7FFFFFFF  }
tec
execute0_lowered:
.L_overlay_start_1:
0x0: {  	(tag) =	ssettag $0x1  }
0x1: {  	s2 =	rddreg [dreg:$0x0]  }
0x2: {  	s3 =	rddreg [dreg:$0x1]  }
0x3: {  	s4 =	rddreg [dreg:$0x2]  }
0x4: {  	s5 =	rddreg [dreg:$0x3];
	s1 =	stileid.u32  }
0x5: {  	s0 =	rddreg [dreg:$0x4];
	s6 =	simm.s32 $0x0;
	s7 =	sshll.u32 s1, $0x4  }
0x6: {  	[smem:$0x7FF] =	sst s6;
	s7 =	sadd.s32 s7, s4  }
0x7: {  	s23 =	simm.s32 $0x3;
	_ =	strace $0x80000047;
	s7 =	sadd.s32 $0x1800, s7  }
0x8: {  	[tilespmem:s6], [sflag:$0x3] =	stream.linear.gather [hbm4b:s7+s6], $0x80, $0x38;
	[tilespmem:$0x1880] =	vst v63  }
0x9: {  	_ =	swait.ge [sflag:s23], $0x80  }
0xa: {  	[sflag:s23] =	ssyncset.done $0x0  }
0xb: {  	[sflag:s23] =	ssyncadd.s32 $0xFFFFFF80  }
0xc: {  	v0 =	vld.msk [tilespmem:$0x0], $0xf;
	_ =	sdelay $0x4  }
0xd: {  	v1 =	vshrl.u32 v0, $0x3  }
0xe: {  	v1 =	vmul.u32 $0x30, v1  }
0xf: {  	v2 =	vlaneseq.u32;
	v0 =	vand.u32 $0x7, v0  }
0x10: {  	v63 =	vand.u32 $0x3, v2;
	v2 =	vshrl.u32 v2, $0x2;
	v0 =	vor.u32 v0, v1  }
0x11: {  	v2 =	vmul.u32 $0x8, v2;
	v0 =	vperm.xlane v0, v63;
	_ =	sdelay $0x1  }
0x12: {  	v0 =	vadd.s32 v2, v0;
	_ =	sdelay $0x3  }
0x13: {  	vm0 =	vmmov $0xffff;
	s24 =	simm.s32 $0x80  }
0x14: {  	[tilespmem:s24], [sflag:$0x1] =	stream.indirect_vreg.gather [hbm4b:s2+s6], $0x80, v0, vm0, $0xb8;
	[tilespmem:$0x1880] =	vst v63  }
0x15: {  	vm1 =	vmmov $0xff;
	s8 =	simm.s32 $0x880;
	s2 =	sadd.s32 $0x200, s2  }
0x16: {  	[tilespmem:s8], [sflag:$0x1] =	stream.indirect_vreg.gather [hbm4b:s2+s6], $0x80, v0, vm1, $0xb8;
	[tilespmem:$0x1880] =	vst v63  }
0x17: {  	v0 =	vld.msk [tilespmem:$0x0], $0xf;
	_ =	sdelay $0x4  }
0x18: {  	v3 =	vshrl.u32 v0, $0x3  }
0x19: {  	v3 =	vmul.u32 $0x30, v3  }
0x1a: {  	v0 =	vand.u32 $0x7, v0  }
0x1b: {  	v0 =	vor.u32 v0, v3  }
0x1c: {  	v0 =	vperm.xlane v0, v63;
	_ =	sdelay $0x1  }
0x1d: {  	v0 =	vadd.s32 v2, v0;
	_ =	sdelay $0x2  }
0x1e: {  	s9 =	simm.s32 $0xC80;
	s10 =	simm.s32 $0x1480  }
0x1f: {  	s28 =	simm.s32 $0x1;
	s25 =	sshrl.u32 s1, $0x1;
	s26 =	sshll.u32 s1, $0x9  }
0x20: {  	[tilespmem:s9], [sflag:$0x2] =	stream.indirect_vreg.gather [hbm4b:s3+s6], $0x80, v0, vm0, $0xb8;
	[tilespmem:$0x1880] =	vst v63  }
0x21: {  	s2 =	smul.u32 $0x1800, s25;
	s8 =	sand.u32 $0x200, s26;
	s3 =	sadd.s32 $0x200, s3  }
0x22: {  	[tilespmem:s10], [sflag:$0x2] =	stream.indirect_vreg.gather [hbm4b:s3+s6], $0x80, v0, vm1, $0xb8;
	[tilespmem:$0x1880] =	vst v63  }
0x23: {  	s29 =	simm.s32 $0x200;
	s2 =	sor.u32 s8, s2;
	_ =	swait.ge [sflag:s28], $0xC00  }
0x24: {  	s30 =	simm.s32 $0x400;
	s2 =	sshrl.u32 s2, $0x3;
	[sflag:s28] =	ssyncset.done $0x0  }
0x25: {  	s31 =	simm.s32 $0x2;
	s5 =	sadd.s32 s5, s2;
	[sflag:s28] =	ssyncadd.s32 $0xFFFFF400  }
0x26: {  	[hbm4b:s5+s29] =	stream.strided.scatter [tilespmem:s24], [sflag:$0x1], $0xC00, s30, s29, $0x38;
	[tilespmem:$0x1880] =	vst v63  }
0x27: {  	_ =	swait.ge [sflag:s31], $0xC00  }
0x28: {  	s2 =	sadd.s32 s2, s4;
	[sflag:s31] =	ssyncset.done $0x0  }
0x29: {  	s2 =	sadd.s32 $0x1A00, s2;
	[sflag:s31] =	ssyncadd.s32 $0xFFFFF400  }
0x2a: {  	[hbm4b:s2+s29] =	stream.strided.scatter [tilespmem:s9], [sflag:$0x2], $0xC00, s30, s29, $0x38;
	[tilespmem:$0x1880] =	vst v63  }
0x2b: {  	_ =	swait.ge [sflag:s28], $0xC00  }
0x2c: {  	[sflag:s28] =	ssyncset.done $0x0  }
0x2d: {  	[sflag:s28] =	ssyncadd.s32 $0xFFFFF400  }
0x2e: {  	_ =	swait.ge [sflag:s31], $0xC00  }
0x2f: {  	[sflag:s31] =	ssyncset.done $0x0  }
0x30: {  	[sflag:s31] =	ssyncadd.s32 $0xFFFFF400  }
0x31: {  	_ =	sfence.sel $0x180000  }
0x32: {  	[bflag:$0x0] =	sbarrier.arrive $0xFFFF  }
0x33: {  	p0 =	sne.s32 s1, $0x0;
	_ =	strace $0x90000047  }
0x34: {  	s0 =	sadd.s32 @!p0 $0x100000, s0;
	[bflag:$0x2] =	sbarrier.arrive $0xFFFF  }
0x35: {  	[sflag:s0] =	ssyncadd.tile.s32 @!p0 $0x1;
	_ =	shalt  }
.Lfunc_end2:
_tile_overlayer_lowered:
.L_overlay_start_2:
0x36: {  	(tag) =	ssettag $0x2  }
0x37: {  	s0 =	rddreg [dreg:$0x0];
	s2 =	stileid.u32  }
0x38: {  	s1 =	rddreg [dreg:$0x1];
	p0 =	sne.s32 s2, $0x0  }
0x39: {  	s3 =	rddreg [dreg:$0x2];
	[bflag:$0x3] =	sbarrier.arrive $0xFFFF;
	s2 =	simm.s32 @!p0 $0x1C03  }
0x3a: {  	[timem:s3], [sflag:s2] =	dma.local @!p0 [hbm:s0], s1  }
0x3b: {  	s0 =	simm.s32 @!p0 $0x3  }
0x3c: {  	_ =	swait.ge @!p0 [sflag:s0], s1  }
0x3d: {  	s1 =	ssub.s32 @!p0 $0x0, s1;
	[sflag:s0] =	ssyncset.done @!p0 $0x0  }
0x3e: {  	[sflag:s0] =	ssyncadd.s32 @!p0 s1  }
0x3f: {  	[bflag:$0x3] =	sbarrier.arrive $0xFFFF  }
0x40: {  	_ =	shalt  }

</sc_bundles>
